<compile_context>
chip_gen: v7x
topology: tpu7x:2x2x1
jax: 0.10.2.dev20260603
libtpu: 0.0.44.dev20260713+nightly
codegen_flags: <defaults>
</compile_context>

<pallas_src>
import functools

import jax
import jax.numpy as jnp
from jax import lax
from jax.experimental import pallas as pl
from jax.experimental.pallas import tpu as pltpu
from jax.experimental.pallas import tpu_sc as plsc

_NUM_CORES = 1
_NUM_SUBCORES = 16
_NUM_WORKERS = _NUM_CORES * _NUM_SUBCORES


def _sc_gather(table, idx_flat, rows_per_batch, seq_len):
    total_rows, hidden = idx_flat.shape[0], table.shape[1]
    rpw = total_rows // _NUM_WORKERS
    n_q = 4
    qs = rpw // n_q

    mesh = plsc.VectorSubcoreMesh(core_axis_name="c", subcore_axis_name="s",
                                  num_cores=1)

    @functools.partial(
        pl.kernel,
        out_type=jax.ShapeDtypeStruct((total_rows, hidden), jnp.float32),
        mesh=mesh,
        compiler_params=pltpu.CompilerParams(
            needs_layout_passes=False,
            skip_device_barrier=True,
            disable_bounds_checks=True,
            disable_semaphore_checks=True,
        ),
        scratch_types=(
            [pltpu.VMEM((rpw,), jnp.int32),
             pltpu.VMEM((rpw, hidden), jnp.float32)]
            + [pltpu.SemaphoreType.DMA] * (2 * n_q)
        ),
    )
    def gather_kernel(table_hbm, idx_hbm, out_hbm, idx_v, rows_v, *sems):
        wid = lax.axis_index("s")
        base = wid * rpw
        row_off = (base // rows_per_batch) * seq_len
        half = rpw // 2
        gathers = []
        for h in range(2):
            pltpu.sync_copy(idx_hbm.at[pl.ds(base + h * half, half)],
                            idx_v.at[pl.ds(h * half, half)])
            sl = pl.ds(h * half, half)
            idx_v[sl] = idx_v[sl] + row_off
            for q in range(h * n_q // 2, (h + 1) * n_q // 2):
                gathers.append(
                    pltpu.async_copy(table_hbm.at[idx_v.at[pl.ds(q * qs, qs)]],
                                     rows_v.at[pl.ds(q * qs, qs)], sems[q]))
        writes = []
        for q in range(n_q):
            gathers[q].wait()
            writes.append(
                pltpu.async_copy(rows_v.at[pl.ds(q * qs, qs)],
                                 out_hbm.at[pl.ds(base + q * qs, qs)],
                                 sems[n_q + q]))
        for w in writes:
            w.wait()

    return gather_kernel(table, idx_flat)


def _head_body(cls_ref, ids_ref, g_ref, bta_ref, w_ref, bb_ref,
               logits_ref, mask_ref):
    x = cls_ref[...]
    mean = jnp.mean(x, axis=1, keepdims=True)
    xc = x - mean
    var = jnp.mean(xc * xc, axis=1, keepdims=True)
    inv = lax.rsqrt(var + 1e-6)
    normed = xc * inv * g_ref[...] + bta_ref[...]
    logit = jnp.sum(normed * w_ref[...], axis=1)
    logits_ref[...] = logit.reshape(logits_ref.shape) + bb_ref[...]
    mask_ref[...] = (ids_ref[...] != -1).astype(jnp.float32)


def _tc_head(cls_flat, cls_token_ids, ln_gamma, ln_beta, w_row, b):
    bsz, seq = cls_token_ids.shape
    logits, mask = pl.pallas_call(
        _head_body,
        out_shape=[
            jax.ShapeDtypeStruct((bsz, seq), jnp.float32),
            jax.ShapeDtypeStruct((bsz, seq), jnp.float32),
        ],
    )(cls_flat, cls_token_ids, ln_gamma.reshape(1, -1),
      ln_beta.reshape(1, -1), w_row, b.reshape(1, 1))
    return logits, mask


def kernel(token_embeds, cls_token_ids, ln_gamma, ln_beta, W, b):
    bsz, seq_len, hidden = token_embeds.shape
    s = cls_token_ids.shape[1]
    table = token_embeds.reshape(bsz * seq_len, hidden)
    idx_flat = cls_token_ids.reshape(-1).astype(jnp.int32)

    cls_flat = _sc_gather(table, idx_flat, s, seq_len)
    logits, mask = _tc_head(cls_flat, cls_token_ids, ln_gamma, ln_beta,
                            W.reshape(1, hidden), b)
    cls_vec = cls_flat.reshape(bsz, s, hidden)
    return (logits, cls_vec, mask)

# --- scband reference (transcript-rebuilt; emitter-appended) ---
"""Pipeline reference for scband-bert-ext-encoder-4629974745681 (READ-ONLY COPY).

The authoritative reference and input builder live on the scoring server;
editing this copy changes nothing except your own understanding.
"""

import jax, jax.numpy as jnp
import numpy as np

B, L, H, S = 4, 2048, 768, 128

def setup_inputs(seed: int = 0) -> dict:
    key = jax.random.key(seed)
    k1, k2, k3 = jax.random.split(key, 3)
    token_embeds = jax.random.normal(k1, (B, L, H), dtype=jnp.float32)
    cls_token_ids = jax.random.randint(k2, (B, S), 0, L)
    # learned params of last_layer = LayerNorm(H, eps=1e-6) + Linear(H, 1)
    ln_gamma = jnp.ones((H,), dtype=jnp.float32)
    ln_beta = jnp.zeros((H,), dtype=jnp.float32)
    W = jax.random.normal(k3, (H, 1), dtype=jnp.float32) * 0.02
    b = jnp.zeros((1,), dtype=jnp.float32)
    return {"token_embeds": token_embeds, "cls_token_ids": cls_token_ids,
            "ln_gamma": ln_gamma, "ln_beta": ln_beta, "W": W, "b": b}

def reference(token_embeds, cls_token_ids, ln_gamma, ln_beta, W, b):
    # forward only uses: gather CLS vectors, LayerNorm+Linear head, mask
    hidden = token_embeds.shape[-1]
    idx = jnp.broadcast_to(cls_token_ids[:, :, None],
                           (cls_token_ids.shape[0], cls_token_ids.shape[1], hidden))
    cls_vec = jnp.take_along_axis(token_embeds, idx, axis=1)  # (B, S, H)
    # LayerNorm (eps=1e-6, biased variance like torch)
    mean = jnp.mean(cls_vec, axis=-1, keepdims=True)
    var = jnp.var(cls_vec, axis=-1, keepdims=True)
    normed = (cls_vec - mean) / jnp.sqrt(var + 1e-6) * ln_gamma + ln_beta
    logits = (normed @ W + b).squeeze(-1)  # (B, S)
    cls_mask = (cls_token_ids != -1).astype(jnp.float32)  # (B, S)
    return (logits, cls_vec, cls_mask)

if __name__ == "__main__":
    import jax
    _d = setup_inputs()
    print(jax.jit(kernel)(*tuple(_d.values())))

</pallas_src>

<mosaic_0001>
#map = affine_map<(d0, d1) -> (0, 0)>
#map1 = affine_map<(d0, d1) -> (0)>
module attributes {stable_mosaic.version = 14 : i64} {
  func.func @gather_kernel(%arg0: i32, %arg1: i32, %arg2: memref<8192x768xf32, #tpu.memory_space<hbm>>, %arg3: memref<512xi32, #tpu.memory_space<hbm>>, %arg4: memref<512x768xf32, #tpu.memory_space<hbm>>, %arg5: memref<32xi32, #tpu.memory_space<vmem>>, %arg6: memref<32x768xf32, #tpu.memory_space<vmem>>, %arg7: memref<!tpu.dma_semaphore, #tpu.memory_space<semaphore_mem>>, %arg8: memref<!tpu.dma_semaphore, #tpu.memory_space<semaphore_mem>>, %arg9: memref<!tpu.dma_semaphore, #tpu.memory_space<semaphore_mem>>, %arg10: memref<!tpu.dma_semaphore, #tpu.memory_space<semaphore_mem>>, %arg11: memref<!tpu.dma_semaphore, #tpu.memory_space<semaphore_mem>>, %arg12: memref<!tpu.dma_semaphore, #tpu.memory_space<semaphore_mem>>, %arg13: memref<!tpu.dma_semaphore, #tpu.memory_space<semaphore_mem>>, %arg14: memref<!tpu.dma_semaphore, #tpu.memory_space<semaphore_mem>>) attributes {dimension_semantics = [#tpu.dimension_semantics<core_parallel>, #tpu.dimension_semantics<subcore_parallel>], iteration_bounds = array<i64: 1, 16>, scalar_prefetch = 0 : i64, scratch_operands = 10 : i64, tpu.core_type = #tpu.core_type<sc_vector_subcore>, window_params = [{transform_indices = #map}, {transform_indices = #map1}, {transform_indices = #map}]} {
    %mul3A = arith.constant 32 : i32
    %mul3A_0 = arith.muli %arg1, %mul3A : i32
    %jit3A = arith.constant 128 : i32
    %div3A = arith.divsi %mul3A_0, %jit3A : i32
    %sign3A = arith.constant 0 : i32
    %sign3A_1 = arith.cmpi sgt, %mul3A_0, %sign3A : i32
    %sign3A_2 = arith.extui %sign3A_1 : i1 to i32
    %sign3A_3 = arith.constant 0 : i32
    %sign3A_4 = arith.cmpi slt, %mul3A_0, %sign3A_3 : i32
    %sign3A_5 = arith.extui %sign3A_4 : i1 to i32
    %sign3A_6 = arith.subi %sign3A_2, %sign3A_5 : i32
    %sign3A_7 = arith.constant 0 : i32
    %sign3A_8 = arith.cmpi sgt, %jit3A, %sign3A_7 : i32
    %sign3A_9 = arith.extui %sign3A_8 : i1 to i32
    %sign3A_10 = arith.constant 0 : i32
    %sign3A_11 = arith.cmpi slt, %jit3A, %sign3A_10 : i32
    %sign3A_12 = arith.extui %sign3A_11 : i1 to i32
    %sign3A_13 = arith.subi %sign3A_9, %sign3A_12 : i32
    %ne3A = arith.cmpi ne, %sign3A_6, %sign3A_13 : i32
    %rem3A = arith.remsi %mul3A_0, %jit3A : i32
    %ne3A_14 = arith.constant 0 : i32
    %ne3A_15 = arith.cmpi ne, %rem3A, %ne3A_14 : i32
    %and3A = arith.andi %ne3A, %ne3A_15 : i1
    %sub3A = arith.constant 1 : i32
    %sub3A_16 = arith.subi %div3A, %sub3A : i32
    %select_n3A = arith.select %and3A, %sub3A_16, %div3A : i32
    %mul3A_17 = arith.constant 2048 : i32
    %mul3A_18 = arith.muli %select_n3A, %mul3A_17 : i32
    %add3A = arith.constant 0 : i32
    %add3A_19 = arith.addi %mul3A_0, %add3A : i32
    "tpu.region"() ({
      %run_scoped3A = tpu.sem_alloc : memref<!tpu.dma_semaphore, #tpu.memory_space<semaphore_mem>>
      %dma_start3A_182 = arith.constant 0 : i32
      %dma_start3A_183 = tpu.memref_slice %arg5[%dma_start3A_182] : memref<32xi32, #tpu.memory_space<vmem>> -> memref<16xi32, #tpu.memory_space<vmem>>
      %dma_start3A_184 = tpu.memref_slice %arg3[%add3A_19] : memref<512xi32, #tpu.memory_space<hbm>> -> memref<16xi32, #tpu.memory_space<hbm>>
      %dma_start3A_185 = arith.constant 0 : i32
      %dma_start3A_186 = tpu.memref_slice %arg5[%dma_start3A_185] : memref<32xi32, #tpu.memory_space<vmem>> -> memref<16xi32, #tpu.memory_space<vmem>>
      %dma_start3A_187 = tpu.memref_slice %arg3[%add3A_19] : memref<512xi32, #tpu.memory_space<hbm>> -> memref<16xi32, #tpu.memory_space<hbm>>
      tpu.enqueue_dma source(%dma_start3A_187 : memref<16xi32, #tpu.memory_space<hbm>>) target(%dma_start3A_186 : memref<16xi32, #tpu.memory_space<vmem>>) target_semaphore(%run_scoped3A : memref<!tpu.dma_semaphore, #tpu.memory_space<semaphore_mem>>)
      %dma_wait3A_188 = arith.constant 0 : i32
      %dma_wait3A_189 = tpu.memref_slice %arg5[%dma_wait3A_188] : memref<32xi32, #tpu.memory_space<vmem>> -> memref<16xi32, #tpu.memory_space<vmem>>
      %dma_wait3A_190 = tpu.memref_slice %arg3[%add3A_19] : memref<512xi32, #tpu.memory_space<hbm>> -> memref<16xi32, #tpu.memory_space<hbm>>
      %dma_wait3A_191 = arith.constant 0 : i32
      %dma_wait3A_192 = tpu.memref_slice %arg5[%dma_wait3A_191] : memref<32xi32, #tpu.memory_space<vmem>> -> memref<16xi32, #tpu.memory_space<vmem>>
      %dma_wait3A_193 = tpu.memref_slice %arg3[%add3A_19] : memref<512xi32, #tpu.memory_space<hbm>> -> memref<16xi32, #tpu.memory_space<hbm>>
      tpu.wait_dma2 semaphore(%run_scoped3A : memref<!tpu.dma_semaphore, #tpu.memory_space<semaphore_mem>>) src(%dma_wait3A_193 : memref<16xi32, #tpu.memory_space<hbm>>) dst(%dma_wait3A_192 : memref<16xi32, #tpu.memory_space<vmem>>)
      tpu.yield
    }) : () -> ()
    %get3A = arith.constant 0 : index
    %get3A_20 = tpu.vector_load %arg5[%get3A] {strides = array<i32>} : memref<32xi32, #tpu.memory_space<vmem>>, vector<16xi32>,
    %add3A_21 = vector.broadcast %mul3A_18 : i32 to vector<16xi32>
    %add3A_22 = arith.addi %get3A_20, %add3A_21 : vector<16xi32>
    %swap3A = arith.constant 0 : index
    %swap3A_23 = tpu.vector_load %arg5[%swap3A] {strides = array<i32>} : memref<32xi32, #tpu.memory_space<vmem>>, vector<16xi32>,
    tpu.vector_store %arg5[%swap3A], %add3A_22 {strides = array<i32>} : memref<32xi32, #tpu.memory_space<vmem>>, vector<16xi32>,
    %dma_start3A = arith.constant 0 : i32
    %dma_start3A_24 = arith.constant 0 : i32
    %dma_start3A_25 = tpu.memref_slice %arg6[%dma_start3A, %dma_start3A_24] : memref<32x768xf32, #tpu.memory_space<vmem>> -> memref<8x768xf32, #tpu.memory_space<vmem>>
    %dma_start3A_26 = arith.constant 0 : i32
    %dma_start3A_27 = tpu.memref_slice %arg5[%dma_start3A_26] : memref<32xi32, #tpu.memory_space<vmem>> -> memref<8xi32, #tpu.memory_space<vmem>>
    %dma_start3A_28 = arith.constant 0 : i32
    %dma_start3A_29 = arith.constant 0 : i32
    %dma_start3A_30 = tpu.memref_slice %arg2[%dma_start3A_28, %dma_start3A_29] : memref<8192x768xf32, #tpu.memory_space<hbm>> -> memref<8192x768xf32, #tpu.memory_space<hbm>>
    tpu.enqueue_indirect_dma source(%dma_start3A_30 : memref<8192x768xf32, #tpu.memory_space<hbm>>) target(%dma_start3A_25 : memref<8x768xf32, #tpu.memory_space<vmem>>) offsets(%dma_start3A_27 : memref<8xi32, #tpu.memory_space<vmem>>) semaphore(%arg7 : memref<!tpu.dma_semaphore, #tpu.memory_space<semaphore_mem>>)
    %dma_start3A_31 = arith.constant 8 : i32
    %dma_start3A_32 = arith.constant 0 : i32
    %dma_start3A_33 = tpu.memref_slice %arg6[%dma_start3A_31, %dma_start3A_32] : memref<32x768xf32, #tpu.memory_space<vmem>> -> memref<8x768xf32, #tpu.memory_space<vmem>>
    %dma_start3A_34 = arith.constant 8 : i32
    %dma_start3A_35 = tpu.memref_slice %arg5[%dma_start3A_34] : memref<32xi32, #tpu.memory_space<vmem>> -> memref<8xi32, #tpu.memory_space<vmem>>
    %dma_start3A_36 = arith.constant 0 : i32
    %dma_start3A_37 = arith.constant 0 : i32
    %dma_start3A_38 = tpu.memref_slice %arg2[%dma_start3A_36, %dma_start3A_37] : memref<8192x768xf32, #tpu.memory_space<hbm>> -> memref<8192x768xf32, #tpu.memory_space<hbm>>
    tpu.enqueue_indirect_dma source(%dma_start3A_38 : memref<8192x768xf32, #tpu.memory_space<hbm>>) target(%dma_start3A_33 : memref<8x768xf32, #tpu.memory_space<vmem>>) offsets(%dma_start3A_35 : memref<8xi32, #tpu.memory_space<vmem>>) semaphore(%arg8 : memref<!tpu.dma_semaphore, #tpu.memory_space<semaphore_mem>>)
    %add3A_39 = arith.constant 16 : i32
    %add3A_40 = arith.addi %mul3A_0, %add3A_39 : i32
    "tpu.region"() ({
      %run_scoped3A = tpu.sem_alloc : memref<!tpu.dma_semaphore, #tpu.memory_space<semaphore_mem>>
      %dma_start3A_182 = arith.constant 16 : i32
      %dma_start3A_183 = tpu.memref_slice %arg5[%dma_start3A_182] : memref<32xi32, #tpu.memory_space<vmem>> -> memref<16xi32, #tpu.memory_space<vmem>>
      %dma_start3A_184 = tpu.memref_slice %arg3[%add3A_40] : memref<512xi32, #tpu.memory_space<hbm>> -> memref<16xi32, #tpu.memory_space<hbm>>
      %dma_start3A_185 = arith.constant 16 : i32
      %dma_start3A_186 = tpu.memref_slice %arg5[%dma_start3A_185] : memref<32xi32, #tpu.memory_space<vmem>> -> memref<16xi32, #tpu.memory_space<vmem>>
      %dma_start3A_187 = tpu.memref_slice %arg3[%add3A_40] : memref<512xi32, #tpu.memory_space<hbm>> -> memref<16xi32, #tpu.memory_space<hbm>>
      tpu.enqueue_dma source(%dma_start3A_187 : memref<16xi32, #tpu.memory_space<hbm>>) target(%dma_start3A_186 : memref<16xi32, #tpu.memory_space<vmem>>) target_semaphore(%run_scoped3A : memref<!tpu.dma_semaphore, #tpu.memory_space<semaphore_mem>>)
      %dma_wait3A_188 = arith.constant 16 : i32
      %dma_wait3A_189 = tpu.memref_slice %arg5[%dma_wait3A_188] : memref<32xi32, #tpu.memory_space<vmem>> -> memref<16xi32, #tpu.memory_space<vmem>>
      %dma_wait3A_190 = tpu.memref_slice %arg3[%add3A_40] : memref<512xi32, #tpu.memory_space<hbm>> -> memref<16xi32, #tpu.memory_space<hbm>>
      %dma_wait3A_191 = arith.constant 16 : i32
      %dma_wait3A_192 = tpu.memref_slice %arg5[%dma_wait3A_191] : memref<32xi32, #tpu.memory_space<vmem>> -> memref<16xi32, #tpu.memory_space<vmem>>
      %dma_wait3A_193 = tpu.memref_slice %arg3[%add3A_40] : memref<512xi32, #tpu.memory_space<hbm>> -> memref<16xi32, #tpu.memory_space<hbm>>
      tpu.wait_dma2 semaphore(%run_scoped3A : memref<!tpu.dma_semaphore, #tpu.memory_space<semaphore_mem>>) src(%dma_wait3A_193 : memref<16xi32, #tpu.memory_space<hbm>>) dst(%dma_wait3A_192 : memref<16xi32, #tpu.memory_space<vmem>>)
      tpu.yield
    }) : () -> ()
    %get3A_41 = arith.constant 16 : index
    %get3A_42 = tpu.vector_load %arg5[%get3A_41] {strides = array<i32>} : memref<32xi32, #tpu.memory_space<vmem>>, vector<16xi32>,
    %add3A_43 = vector.broadcast %mul3A_18 : i32 to vector<16xi32>
    %add3A_44 = arith.addi %get3A_42, %add3A_43 : vector<16xi32>
    %swap3A_45 = arith.constant 16 : index
    %swap3A_46 = tpu.vector_load %arg5[%swap3A_45] {strides = array<i32>} : memref<32xi32, #tpu.memory_space<vmem>>, vector<16xi32>,
    tpu.vector_store %arg5[%swap3A_45], %add3A_44 {strides = array<i32>} : memref<32xi32, #tpu.memory_space<vmem>>, vector<16xi32>,
    %dma_start3A_47 = arith.constant 16 : i32
    %dma_start3A_48 = arith.constant 0 : i32
    %dma_start3A_49 = tpu.memref_slice %arg6[%dma_start3A_47, %dma_start3A_48] : memref<32x768xf32, #tpu.memory_space<vmem>> -> memref<8x768xf32, #tpu.memory_space<vmem>>
    %dma_start3A_50 = arith.constant 16 : i32
    %dma_start3A_51 = tpu.memref_slice %arg5[%dma_start3A_50] : memref<32xi32, #tpu.memory_space<vmem>> -> memref<8xi32, #tpu.memory_space<vmem>>
    %dma_start3A_52 = arith.constant 0 : i32
    %dma_start3A_53 = arith.constant 0 : i32
    %dma_start3A_54 = tpu.memref_slice %arg2[%dma_start3A_52, %dma_start3A_53] : memref<8192x768xf32, #tpu.memory_space<hbm>> -> memref<8192x768xf32, #tpu.memory_space<hbm>>
    tpu.enqueue_indirect_dma source(%dma_start3A_54 : memref<8192x768xf32, #tpu.memory_space<hbm>>) target(%dma_start3A_49 : memref<8x768xf32, #tpu.memory_space<vmem>>) offsets(%dma_start3A_51 : memref<8xi32, #tpu.memory_space<vmem>>) semaphore(%arg9 : memref<!tpu.dma_semaphore, #tpu.memory_space<semaphore_mem>>)
    %dma_start3A_55 = arith.constant 24 : i32
    %dma_start3A_56 = arith.constant 0 : i32
    %dma_start3A_57 = tpu.memref_slice %arg6[%dma_start3A_55, %dma_start3A_56] : memref<32x768xf32, #tpu.memory_space<vmem>> -> memref<8x768xf32, #tpu.memory_space<vmem>>
    %dma_start3A_58 = arith.constant 24 : i32
    %dma_start3A_59 = tpu.memref_slice %arg5[%dma_start3A_58] : memref<32xi32, #tpu.memory_space<vmem>> -> memref<8xi32, #tpu.memory_space<vmem>>
    %dma_start3A_60 = arith.constant 0 : i32
    %dma_start3A_61 = arith.constant 0 : i32
    %dma_start3A_62 = tpu.memref_slice %arg2[%dma_start3A_60, %dma_start3A_61] : memref<8192x768xf32, #tpu.memory_space<hbm>> -> memref<8192x768xf32, #tpu.memory_space<hbm>>
    tpu.enqueue_indirect_dma source(%dma_start3A_62 : memref<8192x768xf32, #tpu.memory_space<hbm>>) target(%dma_start3A_57 : memref<8x768xf32, #tpu.memory_space<vmem>>) offsets(%dma_start3A_59 : memref<8xi32, #tpu.memory_space<vmem>>) semaphore(%arg10 : memref<!tpu.dma_semaphore, #tpu.memory_space<semaphore_mem>>)
    %dma_wait3A = arith.constant 0 : i32
    %dma_wait3A_63 = arith.constant 0 : i32
    %dma_wait3A_64 = tpu.memref_slice %arg6[%dma_wait3A, %dma_wait3A_63] : memref<32x768xf32, #tpu.memory_space<vmem>> -> memref<8x768xf32, #tpu.memory_space<vmem>>
    %dma_wait3A_65 = arith.constant 0 : i32
    %dma_wait3A_66 = tpu.memref_slice %arg5[%dma_wait3A_65] : memref<32xi32, #tpu.memory_space<vmem>> -> memref<8xi32, #tpu.memory_space<vmem>>
    %dma_wait3A_67 = arith.constant 0 : i32
    %dma_wait3A_68 = arith.constant 0 : i32
    %dma_wait3A_69 = tpu.memref_slice %arg2[%dma_wait3A_67, %dma_wait3A_68] : memref<8192x768xf32, #tpu.memory_space<hbm>> -> memref<8192x768xf32, #tpu.memory_space<hbm>>
    tpu.wait_indirect_dma semaphore(%arg7 : memref<!tpu.dma_semaphore, #tpu.memory_space<semaphore_mem>>) src(%dma_wait3A_69 : memref<8192x768xf32, #tpu.memory_space<hbm>>) dst(%dma_wait3A_64 : memref<8x768xf32, #tpu.memory_space<vmem>>)
    %add3A_70 = arith.constant 0 : i32
    %add3A_71 = arith.addi %mul3A_0, %add3A_70 : i32
    %dma_start3A_72 = arith.constant 0 : i32
    %dma_start3A_73 = arith.constant 0 : i32
    %dma_start3A_74 = tpu.memref_slice %arg6[%dma_start3A_72, %dma_start3A_73] : memref<32x768xf32, #tpu.memory_space<vmem>> -> memref<8x768xf32, #tpu.memory_space<vmem>>
    %dma_start3A_75 = arith.constant 0 : i32
    %dma_start3A_76 = tpu.memref_slice %arg4[%add3A_71, %dma_start3A_75] : memref<512x768xf32, #tpu.memory_space<hbm>> -> memref<8x768xf32, #tpu.memory_space<hbm>>
    %dma_start3A_77 = arith.constant 0 : i32
    %dma_start3A_78 = tpu.memref_slice %arg4[%add3A_71, %dma_start3A_77] : memref<512x768xf32, #tpu.memory_space<hbm>> -> memref<8x768xf32, #tpu.memory_space<hbm>>
    %dma_start3A_79 = arith.constant 0 : i32
    %dma_start3A_80 = arith.constant 0 : i32
    %dma_start3A_81 = tpu.memref_slice %arg6[%dma_start3A_79, %dma_start3A_80] : memref<32x768xf32, #tpu.memory_space<vmem>> -> memref<8x768xf32, #tpu.memory_space<vmem>>
    tpu.enqueue_dma source(%dma_start3A_81 : memref<8x768xf32, #tpu.memory_space<vmem>>) target(%dma_start3A_78 : memref<8x768xf32, #tpu.memory_space<hbm>>) target_semaphore(%arg11 : memref<!tpu.dma_semaphore, #tpu.memory_space<semaphore_mem>>)
    %dma_wait3A_82 = arith.constant 8 : i32
    %dma_wait3A_83 = arith.constant 0 : i32
    %dma_wait3A_84 = tpu.memref_slice %arg6[%dma_wait3A_82, %dma_wait3A_83] : memref<32x768xf32, #tpu.memory_space<vmem>> -> memref<8x768xf32, #tpu.memory_space<vmem>>
    %dma_wait3A_85 = arith.constant 8 : i32
    %dma_wait3A_86 = tpu.memref_slice %arg5[%dma_wait3A_85] : memref<32xi32, #tpu.memory_space<vmem>> -> memref<8xi32, #tpu.memory_space<vmem>>
    %dma_wait3A_87 = arith.constant 0 : i32
    %dma_wait3A_88 = arith.constant 0 : i32
    %dma_wait3A_89 = tpu.memref_slice %arg2[%dma_wait3A_87, %dma_wait3A_88] : memref<8192x768xf32, #tpu.memory_space<hbm>> -> memref<8192x768xf32, #tpu.memory_space<hbm>>
    tpu.wait_indirect_dma semaphore(%arg8 : memref<!tpu.dma_semaphore, #tpu.memory_space<semaphore_mem>>) src(%dma_wait3A_89 : memref<8192x768xf32, #tpu.memory_space<hbm>>) dst(%dma_wait3A_84 : memref<8x768xf32, #tpu.memory_space<vmem>>)
    %add3A_90 = arith.constant 8 : i32
    %add3A_91 = arith.addi %mul3A_0, %add3A_90 : i32
    %dma_start3A_92 = arith.constant 8 : i32
    %dma_start3A_93 = arith.constant 0 : i32
    %dma_start3A_94 = tpu.memref_slice %arg6[%dma_start3A_92, %dma_start3A_93] : memref<32x768xf32, #tpu.memory_space<vmem>> -> memref<8x768xf32, #tpu.memory_space<vmem>>
    %dma_start3A_95 = arith.constant 0 : i32
    %dma_start3A_96 = tpu.memref_slice %arg4[%add3A_91, %dma_start3A_95] : memref<512x768xf32, #tpu.memory_space<hbm>> -> memref<8x768xf32, #tpu.memory_space<hbm>>
    %dma_start3A_97 = arith.constant 0 : i32
    %dma_start3A_98 = tpu.memref_slice %arg4[%add3A_91, %dma_start3A_97] : memref<512x768xf32, #tpu.memory_space<hbm>> -> memref<8x768xf32, #tpu.memory_space<hbm>>
    %dma_start3A_99 = arith.constant 8 : i32
    %dma_start3A_100 = arith.constant 0 : i32
    %dma_start3A_101 = tpu.memref_slice %arg6[%dma_start3A_99, %dma_start3A_100] : memref<32x768xf32, #tpu.memory_space<vmem>> -> memref<8x768xf32, #tpu.memory_space<vmem>>
    tpu.enqueue_dma source(%dma_start3A_101 : memref<8x768xf32, #tpu.memory_space<vmem>>) target(%dma_start3A_98 : memref<8x768xf32, #tpu.memory_space<hbm>>) target_semaphore(%arg12 : memref<!tpu.dma_semaphore, #tpu.memory_space<semaphore_mem>>)
    %dma_wait3A_102 = arith.constant 16 : i32
    %dma_wait3A_103 = arith.constant 0 : i32
    %dma_wait3A_104 = tpu.memref_slice %arg6[%dma_wait3A_102, %dma_wait3A_103] : memref<32x768xf32, #tpu.memory_space<vmem>> -> memref<8x768xf32, #tpu.memory_space<vmem>>
    %dma_wait3A_105 = arith.constant 16 : i32
    %dma_wait3A_106 = tpu.memref_slice %arg5[%dma_wait3A_105] : memref<32xi32, #tpu.memory_space<vmem>> -> memref<8xi32, #tpu.memory_space<vmem>>
    %dma_wait3A_107 = arith.constant 0 : i32
    %dma_wait3A_108 = arith.constant 0 : i32
    %dma_wait3A_109 = tpu.memref_slice %arg2[%dma_wait3A_107, %dma_wait3A_108] : memref<8192x768xf32, #tpu.memory_space<hbm>> -> memref<8192x768xf32, #tpu.memory_space<hbm>>
    tpu.wait_indirect_dma semaphore(%arg9 : memref<!tpu.dma_semaphore, #tpu.memory_space<semaphore_mem>>) src(%dma_wait3A_109 : memref<8192x768xf32, #tpu.memory_space<hbm>>) dst(%dma_wait3A_104 : memref<8x768xf32, #tpu.memory_space<vmem>>)
    %add3A_110 = arith.constant 16 : i32
    %add3A_111 = arith.addi %mul3A_0, %add3A_110 : i32
    %dma_start3A_112 = arith.constant 16 : i32
    %dma_start3A_113 = arith.constant 0 : i32
    %dma_start3A_114 = tpu.memref_slice %arg6[%dma_start3A_112, %dma_start3A_113] : memref<32x768xf32, #tpu.memory_space<vmem>> -> memref<8x768xf32, #tpu.memory_space<vmem>>
    %dma_start3A_115 = arith.constant 0 : i32
    %dma_start3A_116 = tpu.memref_slice %arg4[%add3A_111, %dma_start3A_115] : memref<512x768xf32, #tpu.memory_space<hbm>> -> memref<8x768xf32, #tpu.memory_space<hbm>>
    %dma_start3A_117 = arith.constant 0 : i32
    %dma_start3A_118 = tpu.memref_slice %arg4[%add3A_111, %dma_start3A_117] : memref<512x768xf32, #tpu.memory_space<hbm>> -> memref<8x768xf32, #tpu.memory_space<hbm>>
    %dma_start3A_119 = arith.constant 16 : i32
    %dma_start3A_120 = arith.constant 0 : i32
    %dma_start3A_121 = tpu.memref_slice %arg6[%dma_start3A_119, %dma_start3A_120] : memref<32x768xf32, #tpu.memory_space<vmem>> -> memref<8x768xf32, #tpu.memory_space<vmem>>
    tpu.enqueue_dma source(%dma_start3A_121 : memref<8x768xf32, #tpu.memory_space<vmem>>) target(%dma_start3A_118 : memref<8x768xf32, #tpu.memory_space<hbm>>) target_semaphore(%arg13 : memref<!tpu.dma_semaphore, #tpu.memory_space<semaphore_mem>>)
    %dma_wait3A_122 = arith.constant 24 : i32
    %dma_wait3A_123 = arith.constant 0 : i32
    %dma_wait3A_124 = tpu.memref_slice %arg6[%dma_wait3A_122, %dma_wait3A_123] : memref<32x768xf32, #tpu.memory_space<vmem>> -> memref<8x768xf32, #tpu.memory_space<vmem>>
    %dma_wait3A_125 = arith.constant 24 : i32
    %dma_wait3A_126 = tpu.memref_slice %arg5[%dma_wait3A_125] : memref<32xi32, #tpu.memory_space<vmem>> -> memref<8xi32, #tpu.memory_space<vmem>>
    %dma_wait3A_127 = arith.constant 0 : i32
    %dma_wait3A_128 = arith.constant 0 : i32
    %dma_wait3A_129 = tpu.memref_slice %arg2[%dma_wait3A_127, %dma_wait3A_128] : memref<8192x768xf32, #tpu.memory_space<hbm>> -> memref<8192x768xf32, #tpu.memory_space<hbm>>
    tpu.wait_indirect_dma semaphore(%arg10 : memref<!tpu.dma_semaphore, #tpu.memory_space<semaphore_mem>>) src(%dma_wait3A_129 : memref<8192x768xf32, #tpu.memory_space<hbm>>) dst(%dma_wait3A_124 : memref<8x768xf32, #tpu.memory_space<vmem>>)
    %add3A_130 = arith.constant 24 : i32
    %add3A_131 = arith.addi %mul3A_0, %add3A_130 : i32
    %dma_start3A_132 = arith.constant 24 : i32
    %dma_start3A_133 = arith.constant 0 : i32
    %dma_start3A_134 = tpu.memref_slice %arg6[%dma_start3A_132, %dma_start3A_133] : memref<32x768xf32, #tpu.memory_space<vmem>> -> memref<8x768xf32, #tpu.memory_space<vmem>>
    %dma_start3A_135 = arith.constant 0 : i32
    %dma_start3A_136 = tpu.memref_slice %arg4[%add3A_131, %dma_start3A_135] : memref<512x768xf32, #tpu.memory_space<hbm>> -> memref<8x768xf32, #tpu.memory_space<hbm>>
    %dma_start3A_137 = arith.constant 0 : i32
    %dma_start3A_138 = tpu.memref_slice %arg4[%add3A_131, %dma_start3A_137] : memref<512x768xf32, #tpu.memory_space<hbm>> -> memref<8x768xf32, #tpu.memory_space<hbm>>
    %dma_start3A_139 = arith.constant 24 : i32
    %dma_start3A_140 = arith.constant 0 : i32
    %dma_start3A_141 = tpu.memref_slice %arg6[%dma_start3A_139, %dma_start3A_140] : memref<32x768xf32, #tpu.memory_space<vmem>> -> memref<8x768xf32, #tpu.memory_space<vmem>>
    tpu.enqueue_dma source(%dma_start3A_141 : memref<8x768xf32, #tpu.memory_space<vmem>>) target(%dma_start3A_138 : memref<8x768xf32, #tpu.memory_space<hbm>>) target_semaphore(%arg14 : memref<!tpu.dma_semaphore, #tpu.memory_space<semaphore_mem>>)
    %dma_wait3A_142 = arith.constant 0 : i32
    %dma_wait3A_143 = arith.constant 0 : i32
    %dma_wait3A_144 = tpu.memref_slice %arg6[%dma_wait3A_142, %dma_wait3A_143] : memref<32x768xf32, #tpu.memory_space<vmem>> -> memref<8x768xf32, #tpu.memory_space<vmem>>
    %dma_wait3A_145 = arith.constant 0 : i32
    %dma_wait3A_146 = tpu.memref_slice %arg4[%add3A_71, %dma_wait3A_145] : memref<512x768xf32, #tpu.memory_space<hbm>> -> memref<8x768xf32, #tpu.memory_space<hbm>>
    %dma_wait3A_147 = arith.constant 0 : i32
    %dma_wait3A_148 = tpu.memref_slice %arg4[%add3A_71, %dma_wait3A_147] : memref<512x768xf32, #tpu.memory_space<hbm>> -> memref<8x768xf32, #tpu.memory_space<hbm>>
    %dma_wait3A_149 = arith.constant 0 : i32
    %dma_wait3A_150 = arith.constant 0 : i32
    %dma_wait3A_151 = tpu.memref_slice %arg6[%dma_wait3A_149, %dma_wait3A_150] : memref<32x768xf32, #tpu.memory_space<vmem>> -> memref<8x768xf32, #tpu.memory_space<vmem>>
    tpu.wait_dma2 semaphore(%arg11 : memref<!tpu.dma_semaphore, #tpu.memory_space<semaphore_mem>>) src(%dma_wait3A_151 : memref<8x768xf32, #tpu.memory_space<vmem>>) dst(%dma_wait3A_148 : memref<8x768xf32, #tpu.memory_space<hbm>>)
    %dma_wait3A_152 = arith.constant 8 : i32
    %dma_wait3A_153 = arith.constant 0 : i32
    %dma_wait3A_154 = tpu.memref_slice %arg6[%dma_wait3A_152, %dma_wait3A_153] : memref<32x768xf32, #tpu.memory_space<vmem>> -> memref<8x768xf32, #tpu.memory_space<vmem>>
    %dma_wait3A_155 = arith.constant 0 : i32
    %dma_wait3A_156 = tpu.memref_slice %arg4[%add3A_91, %dma_wait3A_155] : memref<512x768xf32, #tpu.memory_space<hbm>> -> memref<8x768xf32, #tpu.memory_space<hbm>>
    %dma_wait3A_157 = arith.constant 0 : i32
    %dma_wait3A_158 = tpu.memref_slice %arg4[%add3A_91, %dma_wait3A_157] : memref<512x768xf32, #tpu.memory_space<hbm>> -> memref<8x768xf32, #tpu.memory_space<hbm>>
    %dma_wait3A_159 = arith.constant 8 : i32
    %dma_wait3A_160 = arith.constant 0 : i32
    %dma_wait3A_161 = tpu.memref_slice %arg6[%dma_wait3A_159, %dma_wait3A_160] : memref<32x768xf32, #tpu.memory_space<vmem>> -> memref<8x768xf32, #tpu.memory_space<vmem>>
    tpu.wait_dma2 semaphore(%arg12 : memref<!tpu.dma_semaphore, #tpu.memory_space<semaphore_mem>>) src(%dma_wait3A_161 : memref<8x768xf32, #tpu.memory_space<vmem>>) dst(%dma_wait3A_158 : memref<8x768xf32, #tpu.memory_space<hbm>>)
    %dma_wait3A_162 = arith.constant 16 : i32
    %dma_wait3A_163 = arith.constant 0 : i32
    %dma_wait3A_164 = tpu.memref_slice %arg6[%dma_wait3A_162, %dma_wait3A_163] : memref<32x768xf32, #tpu.memory_space<vmem>> -> memref<8x768xf32, #tpu.memory_space<vmem>>
    %dma_wait3A_165 = arith.constant 0 : i32
    %dma_wait3A_166 = tpu.memref_slice %arg4[%add3A_111, %dma_wait3A_165] : memref<512x768xf32, #tpu.memory_space<hbm>> -> memref<8x768xf32, #tpu.memory_space<hbm>>
    %dma_wait3A_167 = arith.constant 0 : i32
    %dma_wait3A_168 = tpu.memref_slice %arg4[%add3A_111, %dma_wait3A_167] : memref<512x768xf32, #tpu.memory_space<hbm>> -> memref<8x768xf32, #tpu.memory_space<hbm>>
    %dma_wait3A_169 = arith.constant 16 : i32
    %dma_wait3A_170 = arith.constant 0 : i32
    %dma_wait3A_171 = tpu.memref_slice %arg6[%dma_wait3A_169, %dma_wait3A_170] : memref<32x768xf32, #tpu.memory_space<vmem>> -> memref<8x768xf32, #tpu.memory_space<vmem>>
    tpu.wait_dma2 semaphore(%arg13 : memref<!tpu.dma_semaphore, #tpu.memory_space<semaphore_mem>>) src(%dma_wait3A_171 : memref<8x768xf32, #tpu.memory_space<vmem>>) dst(%dma_wait3A_168 : memref<8x768xf32, #tpu.memory_space<hbm>>)
    %dma_wait3A_172 = arith.constant 24 : i32
    %dma_wait3A_173 = arith.constant 0 : i32
    %dma_wait3A_174 = tpu.memref_slice %arg6[%dma_wait3A_172, %dma_wait3A_173] : memref<32x768xf32, #tpu.memory_space<vmem>> -> memref<8x768xf32, #tpu.memory_space<vmem>>
    %dma_wait3A_175 = arith.constant 0 : i32
    %dma_wait3A_176 = tpu.memref_slice %arg4[%add3A_131, %dma_wait3A_175] : memref<512x768xf32, #tpu.memory_space<hbm>> -> memref<8x768xf32, #tpu.memory_space<hbm>>
    %dma_wait3A_177 = arith.constant 0 : i32
    %dma_wait3A_178 = tpu.memref_slice %arg4[%add3A_131, %dma_wait3A_177] : memref<512x768xf32, #tpu.memory_space<hbm>> -> memref<8x768xf32, #tpu.memory_space<hbm>>
    %dma_wait3A_179 = arith.constant 24 : i32
    %dma_wait3A_180 = arith.constant 0 : i32
    %dma_wait3A_181 = tpu.memref_slice %arg6[%dma_wait3A_179, %dma_wait3A_180] : memref<32x768xf32, #tpu.memory_space<vmem>> -> memref<8x768xf32, #tpu.memory_space<vmem>>
    tpu.wait_dma2 semaphore(%arg14 : memref<!tpu.dma_semaphore, #tpu.memory_space<semaphore_mem>>) src(%dma_wait3A_181 : memref<8x768xf32, #tpu.memory_space<vmem>>) dst(%dma_wait3A_178 : memref<8x768xf32, #tpu.memory_space<hbm>>)
    return
  }
}

module attributes {stable_mosaic.version = 14 : i64} {
  func.func @_head_body(%arg0: memref<512x768xf32, #tpu.memory_space<vmem>>, %arg1: memref<4x128xi32, #tpu.memory_space<vmem>>, %arg2: memref<1x768xf32, #tpu.memory_space<vmem>>, %arg3: memref<1x768xf32, #tpu.memory_space<vmem>>, %arg4: memref<1x768xf32, #tpu.memory_space<vmem>>, %arg5: memref<1x1xf32, #tpu.memory_space<vmem>>, %arg6: memref<4x128xf32, #tpu.memory_space<vmem>>, %arg7: memref<4x128xf32, #tpu.memory_space<vmem>>) attributes {dimension_semantics = [], scalar_prefetch = 0 : i64, scratch_operands = 0 : i64, tpu.core_type = #tpu.core_type<tc>} {
    %get3A = arith.constant 0 : index
    %get3A_0 = arith.constant 0 : index
    %get3A_1 = vector.load %arg0[%get3A, %get3A_0] : memref<512x768xf32, #tpu.memory_space<vmem>>, vector<512x768xf32>
    %reduce_sum3A = arith.constant dense<0.000000e+00> : vector<512xf32>
    %reduce_sum3A_2 = vector.multi_reduction <add>, %get3A_1, %reduce_sum3A [1] : vector<512x768xf32> to vector<512xf32>
    %broadcast_in_dim3A = vector.shape_cast %reduce_sum3A_2 : vector<512xf32> to vector<512x1xf32>
    %div3A = arith.constant 7.680000e+02 : f32
    %div3A_3 = vector.broadcast %div3A : f32 to vector<512x1xf32>
    %div3A_4 = arith.divf %broadcast_in_dim3A, %div3A_3 : vector<512x1xf32>
    %sub3A = vector.broadcast %div3A_4 : vector<512x1xf32> to vector<512x768xf32>
    %sub3A_5 = arith.subf %get3A_1, %sub3A : vector<512x768xf32>
    %mul3A = arith.mulf %sub3A_5, %sub3A_5 : vector<512x768xf32>
    %reduce_sum3A_6 = arith.constant dense<0.000000e+00> : vector<512xf32>
    %reduce_sum3A_7 = vector.multi_reduction <add>, %mul3A, %reduce_sum3A_6 [1] : vector<512x768xf32> to vector<512xf32>
    %broadcast_in_dim3A_8 = vector.shape_cast %reduce_sum3A_7 : vector<512xf32> to vector<512x1xf32>
    %div3A_9 = arith.constant 7.680000e+02 : f32
    %div3A_10 = vector.broadcast %div3A_9 : f32 to vector<512x1xf32>
    %div3A_11 = arith.divf %broadcast_in_dim3A_8, %div3A_10 : vector<512x1xf32>
    %add3A = arith.constant 9.99999997E-7 : f32
    %add3A_12 = vector.broadcast %add3A : f32 to vector<512x1xf32>
    %add3A_13 = arith.addf %div3A_11, %add3A_12 : vector<512x1xf32>
    %rsqrt3A = math.rsqrt %add3A_13 : vector<512x1xf32>
    %mul3A_14 = vector.broadcast %rsqrt3A : vector<512x1xf32> to vector<512x768xf32>
    %mul3A_15 = arith.mulf %sub3A_5, %mul3A_14 : vector<512x768xf32>
    %get3A_16 = arith.constant 0 : index
    %get3A_17 = arith.constant 0 : index
    %get3A_18 = vector.load %arg2[%get3A_16, %get3A_17] : memref<1x768xf32, #tpu.memory_space<vmem>>, vector<1x768xf32>
    %mul3A_19 = vector.broadcast %get3A_18 : vector<1x768xf32> to vector<512x768xf32>
    %mul3A_20 = arith.mulf %mul3A_15, %mul3A_19 : vector<512x768xf32>
    %get3A_21 = arith.constant 0 : index
    %get3A_22 = arith.constant 0 : index
    %get3A_23 = vector.load %arg3[%get3A_21, %get3A_22] : memref<1x768xf32, #tpu.memory_space<vmem>>, vector<1x768xf32>
    %add3A_24 = vector.broadcast %get3A_23 : vector<1x768xf32> to vector<512x768xf32>
    %add3A_25 = arith.addf %mul3A_20, %add3A_24 : vector<512x768xf32>
    %get3A_26 = arith.constant 0 : index
    %get3A_27 = arith.constant 0 : index
    %get3A_28 = vector.load %arg4[%get3A_26, %get3A_27] : memref<1x768xf32, #tpu.memory_space<vmem>>, vector<1x768xf32>
    %mul3A_29 = vector.broadcast %get3A_28 : vector<1x768xf32> to vector<512x768xf32>
    %mul3A_30 = arith.mulf %add3A_25, %mul3A_29 : vector<512x768xf32>
    %reduce_sum3A_31 = arith.constant dense<0.000000e+00> : vector<512xf32>
    %reduce_sum3A_32 = vector.multi_reduction <add>, %mul3A_30, %reduce_sum3A_31 [1] : vector<512x768xf32> to vector<512xf32>
    %reshape3A = vector.shape_cast %reduce_sum3A_32 : vector<512xf32> to vector<4x128xf32>
    %get3A_33 = arith.constant 0 : index
    %get3A_34 = arith.constant 0 : index
    %get3A_35 = vector.load %arg5[%get3A_33, %get3A_34] : memref<1x1xf32, #tpu.memory_space<vmem>>, vector<1x1xf32>
    %add3A_36 = vector.broadcast %get3A_35 : vector<1x1xf32> to vector<4x128xf32>
    %add3A_37 = arith.addf %reshape3A, %add3A_36 : vector<4x128xf32>
    %swap3A = arith.constant 0 : index
    %swap3A_38 = arith.constant 0 : index
    %swap3A_39 = vector.load %arg6[%swap3A, %swap3A_38] : memref<4x128xf32, #tpu.memory_space<vmem>>, vector<4x128xf32>
    tpu.vector_store %arg6[%swap3A, %swap3A_38], %add3A_37 {strides = array<i32>} : memref<4x128xf32, #tpu.memory_space<vmem>>, vector<4x128xf32>,
    %get3A_40 = arith.constant 0 : index
    %get3A_41 = arith.constant 0 : index
    %get3A_42 = vector.load %arg1[%get3A_40, %get3A_41] : memref<4x128xi32, #tpu.memory_space<vmem>>, vector<4x128xi32>
    %ne3A = arith.constant -1 : i32
    %ne3A_43 = vector.broadcast %ne3A : i32 to vector<4x128xi32>
    %ne3A_44 = arith.cmpi ne, %get3A_42, %ne3A_43 : vector<4x128xi32>
    %convert_element_type3A = arith.extui %ne3A_44 : vector<4x128xi1> to vector<4x128xi32>
    %convert_element_type3A_45 = arith.sitofp %convert_element_type3A : vector<4x128xi32> to vector<4x128xf32>
    %swap3A_46 = arith.constant 0 : index
    %swap3A_47 = arith.constant 0 : index
    %swap3A_48 = vector.load %arg7[%swap3A_46, %swap3A_47] : memref<4x128xf32, #tpu.memory_space<vmem>>, vector<4x128xf32>
    tpu.vector_store %arg7[%swap3A_46, %swap3A_47], %convert_element_type3A_45 {strides = array<i32>} : memref<4x128xf32, #tpu.memory_space<vmem>>, vector<4x128xf32>,
    return
  }
}

</mosaic_0001>

<sc_bundles>
// kernel: kernel.4.cloned.1.call-start
scs
__scs_entry_jumppad:
0x0: {  	(pc) =	sbr.rel $0x88, $3  }
0x1: {  	(tag) =	ssettag $0x0;
	lr =	simm.s32 $0x1  }
0x2: {  	[smem:$0x3F9B] =	sst lr;
	_ =	strace $0xD0000000  }
0x3: {  	_ = 	snop  }
0x4: {  	_ = 	snop  }
0x5: {  	_ = 	snop  }
0x6: {  	_ = 	snop  }
0x7: {  	_ = 	snop  }
__scs_overlays_trampoline_lowered:
0x8: {  	[smem:$0x3FAA] =	sst s0  }
0x9: {  	[smem:$0x3FAB] =	sst s1  }
0xa: {  	[smem:$0x3FAC] =	sst s2  }
0xb: {  	[smem:$0x3FAD] =	sst s3  }
0xc: {  	[smem:$0x3FAE] =	sst s4  }
0xd: {  	[smem:$0x3FAF] =	sst s5  }
0xe: {  	[smem:$0x3FB0] =	sst s6  }
0xf: {  	[smem:$0x3FB1] =	sst s7  }
0x10: {  	[smem:$0x3FB2] =	sst s8  }
0x11: {  	[smem:$0x3FB3] =	sst s9;
	s0 =	simm.s32 @!p0 $0x0  }
0x12: {  	s1 =	sld [smem:$0x3F99];
	s0 =	simm.s32 @p0 $0x1  }
0x13: {  	[smem:$0x3FB4] =	sst s0;
	s0 =	simm.s32 @!p1 $0x0  }
0x14: {  	s2 =	sld [smem:$0x3F98];
	s0 =	simm.s32 @p1 $0x1  }
0x15: {  	[smem:$0x3FB5] =	sst s0;
	s0 =	simm.s32 @!p2 $0x0  }
0x16: {  	s3 =	sld [smem:$0x3FDB];
	s0 =	simm.s32 @p2 $0x1  }
0x17: {  	s4 =	simm.s32 $0x1BF5;
	[smem:$0x3FB7] =	sst s0  }
0x18: {  	s0 =	sld [smem:$0x3F9A];
	_ =	swait.ge [sflag:s4], $0x0  }
0x19: {  	s7 =	sld [smem:$0x3F9B]  }
0x1a: {  	s8 =	sadd.s32 $0xFFFFE003, lr  }
0x1b: {  	s9 =	sadd.s32 $0xFFFFFEF7, lr;
	s5 =	simm.s32 $0xFFFFFFFF;
	p2 =	slt.u32 s8, $0xFFFFF086  }
0x1c: {  	p1 =	slt.u32 s9, $0xF7A;
	s5 =	simm.s32 @!p2 $0x0  }
0x1d: {  	s5 =	simm.s32 @p1 $0x1;
	p0 =	seq.s32 s7, s2  }
0x1e: {  	s7 =	smul.u32 @!p0 $0xF7A, s2;
	p2 =	seq.s32 @!p0 s5, $0x0  }
0x1f: {  	s9 =	smul.u32 $0xF7A, s1;
	s8 =	simm.s32 @!p0 $0x1BF5;
	p2 =	por !p2, p0  }
0x20: {  	[sflag:s8] =	ssyncset.s32 @!p0 $0xFFFFF086;
	s6 =	sadd.s32 @!p0 s3, s7;
	s7 =	simm.s32 @!p0 $0x108  }
0x21: {  	s3 =	sadd.s32 s3, s9;
	s6 =	sadd.s32 @!p0 $0x88, s6;
	s7 =	simm.s32 @p2 $0x1082  }
0x22: {  	[simem:s7], [sflag:s8] =	dma.local @!p0 [hbm:s6], $0xF7A  }
0x23: {  	s9 =	sor.u32 $0xD0000000, s2;
	s6 =	simm.s32 $0x108;
	_ =	swait.ge @!p0 [sflag:s8], $0x0  }
0x24: {  	s3 =	sadd.s32 $0x88, s3;
	s6 =	simm.s32 @!p1 $0x1082;
	[sflag:s4] =	ssyncset.s32 $0xFFFFF086  }
0x25: {  	[simem:s6], [sflag:s4] =	dma.local [hbm:s3], $0xF7A  }
0x26: {  	[smem:$0x3F9B] =	sst s1;
	(tag) =	ssettag s2;
	_ =	strace s9  }
0x27: {  	s1 =	sld [smem:$0x3FAB]  }
0x28: {  	s2 =	sld [smem:$0x3FAC]  }
0x29: {  	s4 =	sld [smem:$0x3FAE]  }
0x2a: {  	p0 =	seq.s32 s5, $0x0;
	s5 =	sld [smem:$0x3FAF]  }
0x2b: {  	s6 =	sld [smem:$0x3FB0]  }
0x2c: {  	s7 =	sld [smem:$0x3FB1]  }
0x2d: {  	s3 =	simm.s32 $0x108;
	s8 =	sld [smem:$0x3FB2]  }
0x2e: {  	s3 =	simm.s32 @!p0 $0x1082;
	s9 =	sld [smem:$0x3FB3]  }
0x2f: {  	lr =	sadd.s32 s0, s3;
	s0 =	sld [smem:$0x3FAA]  }
0x30: {  	s3 =	sld [smem:$0x3FAD]  }
0x31: {  	[smem:$0x3FB6] =	sst s10  }
0x32: {  	s10 =	sld [smem:$0x3FB4];
	_ =	sdelay $0x3  }
0x33: {  	p0 =	seq.s32 s10, $0x1;
	s10 =	sld [smem:$0x3FB6];
	_ =	sdelay $0x3  }
0x34: {  	[smem:$0x3FB6] =	sst s10  }
0x35: {  	s10 =	sld [smem:$0x3FB5];
	_ =	sdelay $0x3  }
0x36: {  	p1 =	seq.s32 s10, $0x1;
	s10 =	sld [smem:$0x3FB6];
	_ =	sdelay $0x3  }
0x37: {  	[smem:$0x3FB6] =	sst s10  }
0x38: {  	s10 =	sld [smem:$0x3FB7]  }
0x39: {  	_ = 	snop;
	(pc) =	sbr.ind lr, $3  }
0x3a: {  	_ = 	snop  }
0x3b: {  	_ = 	snop  }
0x3c: {  	p2 =	seq.s32 s10, $0x1;
	s10 =	sld [smem:$0x3FB6]  }
0x3d: {  	_ =	shalt  }
0x3e: {  	_ =	shalt  }
0x3f: {  	_ =	shalt  }
0x40: {  	_ =	shalt  }
0x41: {  	_ =	shalt  }
0x42: {  	_ =	shalt  }
0x43: {  	_ =	shalt  }
0x44: {  	_ =	shalt  }
0x45: {  	_ =	shalt  }
0x46: {  	_ =	shalt  }
0x47: {  	_ =	shalt  }
0x48: {  	_ =	shalt  }
0x49: {  	_ =	shalt  }
0x4a: {  	_ =	shalt  }
0x4b: {  	_ =	shalt  }
0x4c: {  	_ =	shalt  }
0x4d: {  	_ =	shalt  }
0x4e: {  	_ =	shalt  }
0x4f: {  	_ =	shalt  }
0x50: {  	_ =	shalt  }
0x51: {  	_ =	shalt  }
0x52: {  	_ =	shalt  }
0x53: {  	_ =	shalt  }
0x54: {  	_ =	shalt  }
0x55: {  	_ =	shalt  }
0x56: {  	_ =	shalt  }
0x57: {  	_ =	shalt  }
0x58: {  	_ =	shalt  }
0x59: {  	_ =	shalt  }
0x5a: {  	_ =	shalt  }
0x5b: {  	_ =	shalt  }
0x5c: {  	_ =	shalt  }
0x5d: {  	_ =	shalt  }
0x5e: {  	_ =	shalt  }
0x5f: {  	_ =	shalt  }
0x60: {  	_ =	shalt  }
0x61: {  	_ =	shalt  }
0x62: {  	_ =	shalt  }
0x63: {  	_ =	shalt  }
0x64: {  	_ =	shalt  }
0x65: {  	_ =	shalt  }
0x66: {  	_ =	shalt  }
0x67: {  	_ =	shalt  }
0x68: {  	_ =	shalt  }
0x69: {  	_ =	shalt  }
0x6a: {  	_ =	shalt  }
0x6b: {  	_ =	shalt  }
0x6c: {  	_ =	shalt  }
0x6d: {  	_ =	shalt  }
0x6e: {  	_ =	shalt  }
0x6f: {  	_ =	shalt  }
0x70: {  	_ =	shalt  }
0x71: {  	_ =	shalt  }
0x72: {  	_ =	shalt  }
0x73: {  	_ =	shalt  }
0x74: {  	_ =	shalt  }
0x75: {  	_ =	shalt  }
0x76: {  	_ =	shalt  }
0x77: {  	_ =	shalt  }
0x78: {  	_ =	shalt  }
0x79: {  	_ =	shalt  }
0x7a: {  	_ =	shalt  }
0x7b: {  	_ =	shalt  }
0x7c: {  	_ =	shalt  }
0x7d: {  	_ =	shalt  }
0x7e: {  	_ =	shalt  }
0x7f: {  	_ =	shalt  }
0x80: {  	_ =	shalt  }
0x81: {  	_ =	shalt  }
0x82: {  	_ =	shalt  }
0x83: {  	_ =	shalt  }
0x84: {  	_ =	shalt  }
0x85: {  	_ =	shalt  }
0x86: {  	_ =	shalt  }
0x87: {  	_ =	shalt  }
.Lfunc_end0:
.L_simem_size_0:
called_computation_lowered:
.L_overlay_start_0:
0x88: {  	s0 =	sld [smem:$0x3FD9]  }
0x89: {  	s1 =	sld [smem:$0x3FFE];
	_ =	sdelay $0x3  }
0x8a: {  	s0 =	sadd.s32 s1, s0  }
0x8b: {  	[smem:$0x3FC2] =	sst s0  }
0x8c: {  	_ = 	snop  }
0x8d: {  	s0 =	sld [smem:$0x3FD0];
	_ =	sdelay $0x1  }
0x8e: {  	s14 =	sld [smem:$0x3FC9]  }
0x8f: {  	s3 =	simm.s32 $0xA;
	s4 =	simm.s32 $0x10;
	s2 =	sld [smem:$0x3FC8]  }
0x90: {  	[smem:s4], [sflag:s3] =	dma.local [hbm:s0], $0x1  }
0x91: {  	_ =	swait.eq [sflag:s3], $0x1  }
0x92: {  	[sflag:s3] =	ssyncset.done $0x0  }
0x93: {  	[sflag:s3] =	ssyncadd.s32 $0xFFFFFFFF  }
0x94: {  	s15 =	sld [smem:$0x11];
	(tm) =	ssettm $0x1  }
0x95: {  	s16 =	sld [smem:$0x3FFB];
	_ =	sdelay $0x3  }
0x96: {  	_ =	strace s16  }
0x97: {  	s3 =	sld [smem:$0x3FFC];
	_ =	sdelay $0x3  }
0x98: {  	_ =	strace s3  }
0x99: {  	s3 =	sld [smem:$0x3FFD];
	_ =	sdelay $0x3  }
0x9a: {  	_ =	strace s3  }
0x9b: {  	_ =	strace $0x8FFFFFFF  }
0x9c: {  	s17 =	sld [smem:$0x3FDB];
	_ =	sdelay $0x1  }
0x9d: {  	s18 =	simm.s32 $_scs_section_size  }
0x9e: {  	s5 =	simm.s32 $_size__tile_overlayer_lowered;
	s6 =	simm.s32 $_tile_overlayer_lowered  }
0x9f: {  	s21 =	simm.s32 $0x1BFF;
	s20 =	sshll.u32 s6, $0x1;
	s3 =	sadd.s32 s18, s17  }
0xa0: {  	s7 =	simm.s32 $0x0;
	s19 =	sshll.u32 s5, $0x1;
	s5 =	sadd.s32 s20, s3  }
0xa1: {  	[timem:s7], [sflag:s21] =	dma.local [hbm:s5], s19  }
0xa2: {  	_ =	swait.ge [sflag:s21], s19  }
0xa3: {  	s4 =	ssub.s32 $0x0, s19;
	[sflag:s21] =	ssyncset.done $0x0  }
0xa4: {  	[sflag:s21] =	ssyncadd.s32 s4;
	_ =	sdelay $0x1  }
0xa5: {  	s22 =	simm.s32 $0x1B8B  }
0xa6: {  	_ =	swait.ge [sflag:s22], $0x1  }
0xa7: {  	[sflag:s22] =	ssyncset.done $0x0  }
0xa8: {  	s23 =	simm.s32 $0x1B8E;
	[sflag:s22] =	ssyncadd.s32 $0xFFFFFFFF  }
0xa9: {  	s24 =	simm.s32 $execute0_lowered;
	[smem:$0x3FD2] =	sst s23  }
0xaa: {  	s4 =	sshll.u32 s24, $0x1;
	_ =	strace $0x80000046;
	[dreg:$0x1] =	wrdreg $0xFFFFFFFF  }
0xab: {  	s25 =	simm.s32 $_size_execute0_lowered;
	s3 =	sadd.s32 s3, s4;
	[dreg:$0x0] =	wrdreg $0x0  }
0xac: {  	s4 =	sshll.u32 s25, $0x1;
	[dreg:$0x2] =	wrdreg s3  }
0xad: {  	[dreg:$0x3] =	wrdreg s4  }
0xae: {  	[dreg:$0x4] =	wrdreg $0xC0  }
0xaf: {  	_ =	task [dreg:s7], $0x5FFFF  }
0xb0: {  	[dreg:$0x1] =	wrdreg $0xFFFFFFFF  }
0xb1: {  	[dreg:$0x0] =	wrdreg $0x60  }
0xb2: {  	[dreg:$0x2] =	wrdreg s14  }
0xb3: {  	[dreg:$0x3] =	wrdreg s2  }
0xb4: {  	[dreg:$0x4] =	wrdreg s15  }
0xb5: {  	[dreg:$0x5] =	wrdreg $0x9  }
0xb6: {  	_ =	task.clear_ibuf [dreg:s7], $0x6FFFF;
	_ =	strace $0x90000046  }
0xb7: {  	s26 =	simm.s32 $0x9;
	_ =	strace $0x80000048  }
0xb8: {  	_ =	swait.ge [sflag:s26], $0x1  }
0xb9: {  	[sflag:s26] =	ssyncadd.s32 $0xFFFFFFFF  }
0xba: {  	_ =	strace $0x90000048  }
0xbb: {  	_ =	sfence  }
0xbc: {  	s28 =	sld [smem:$0x0];
	_ =	sdelay $0x1  }
0xbd: {  	s29 =	srdreg.scid  }
0xbe: {  	s30 =	sshll.u32 s29, $0xD;
	s31 =	sshrl.u32 s29, $0x2  }
0xbf: {  	s1 =	sand.u32 $0x1, s29;
	s2 =	sand.u32 $0x4000, s30;
	s0 =	sadd.s32 s31, s28  }
0xc0: {  	s1 =	sor.u32 s2, s1;
	s0 =	sshll.u32 s0, $0x11  }
0xc1: {  	s0 =	sor.u32 s0, s1  }
0xc2: {  	s0 =	sadd.s32 $0x8F2B, s0  }
0xc3: {  	[sflag:s0] =	ssyncadd.remote.s32 $0x1  }
0xc4: {  	_ =	sfence.sel $0xFFFF  }
0xc5: {  	[dreg:$0x0] =	wrdreg $0xFFFFFFFF;
	(pc) =	sbr.abs _section_cstart, $3  }
0xc6: {  	[dreg:$0x1] =	wrdreg $0xFFFFFFFF  }
0xc7: {  	_ =	task.clear_ibuf [dreg:s7], $0x2FFFF;
	_ =	strace $0x9FFFFFFF  }
0xc8: {  	(tm) =	ssettm $0x7FFFFFFF  }
0xc9: {  	_ =	shalt  }
tec
execute0_lowered:
.L_overlay_start_1:
0x0: {  	(tag) =	ssettag $0x1  }
0x1: {  	s4 =	rddreg [dreg:$0x0]  }
0x2: {  	s6 =	rddreg [dreg:$0x1]  }
0x3: {  	s3 =	rddreg [dreg:$0x2]  }
0x4: {  	s0 =	rddreg [dreg:$0x3];
	s2 =	simm.s32 $0x0;
	s1 =	stileid.u32  }
0x5: {  	[smem:$0x7FF] =	sst s2;
	s7 =	sshll.u32 s1, $0x2  }
0x6: {  	s8 =	simm.s32 $0x9;
	_ =	strace $0x80000047;
	s5 =	sadd.s32 s6, s7  }
0x7: {  	[tilespmem:s2], [sflag:$0x9] =	stream.linear.gather [hbm4b:s5+s2], $0x10, $0x38;
	[tilespmem:$0x6080] =	vst v63  }
0x8: {  	_ =	swait.ge [sflag:s8], $0x10  }
0x9: {  	[sflag:s8] =	ssyncset.done $0x0  }
0xa: {  	[sflag:s8] =	ssyncadd.s32 $0xFFFFFFF0  }
0xb: {  	v0 =	vld [tilespmem:$0x0];
	_ =	sdelay $0x2  }
0xc: {  	s24 =	sshll.u32 s1, $0x9  }
0xd: {  	s9 =	sand.u32 $0x1800, s24  }
0xe: {  	v0 =	vadd.s32 s9, v0  }
0xf: {  	[tilespmem:$0x0] =	vst v0  }
0x10: {  	v0 =	vld.msk [tilespmem:$0x0], $0xff;
	_ =	sdelay $0x4  }
0x11: {  	v1 =	vshrl.u32 v0, $0x3  }
0x12: {  	v1 =	vmul.u32 $0x30, v1  }
0x13: {  	v2 =	vlaneseq.u32;
	v0 =	vand.u32 $0x7, v0  }
0x14: {  	v60 =	vand.u32 $0x7, v2;
	v2 =	vshrl.u32 v2, $0x3;
	v0 =	vor.u32 v0, v1  }
0x15: {  	v2 =	vmul.u32 $0x8, v2;
	v0 =	vperm.xlane v0, v60;
	_ =	sdelay $0x1  }
0x16: {  	v0 =	vadd.s32 v2, v0;
	_ =	sdelay $0x3  }
0x17: {  	vm0 =	vmmov $0xffff;
	s25 =	simm.s32 $0x80  }
0x18: {  	[tilespmem:s25], [sflag:$0x1] =	stream.indirect_vreg.gather [hbm4b:s4+s2], $0x80, v0, vm0, $0xb8;
	[tilespmem:$0x6080] =	vst v63  }
0x19: {  	s11 =	simm.s32 $0x880;
	s10 =	sadd.s32 $0x100, s4  }
0x1a: {  	[tilespmem:s11], [sflag:$0x1] =	stream.indirect_vreg.gather [hbm4b:s10+s2], $0x80, v0, vm0, $0xb8;
	[tilespmem:$0x6080] =	vst v63  }
0x1b: {  	s12 =	simm.s32 $0x1080;
	s26 =	sadd.s32 $0x200, s4  }
0x1c: {  	[tilespmem:s12], [sflag:$0x1] =	stream.indirect_vreg.gather [hbm4b:s26+s2], $0x80, v0, vm0, $0xb8;
	[tilespmem:$0x6080] =	vst v63  }
0x1d: {  	v0 =	vld.msk [tilespmem:$0x8], $0xff;
	_ =	sdelay $0x4  }
0x1e: {  	v3 =	vshrl.u32 v0, $0x3  }
0x1f: {  	v3 =	vmul.u32 $0x30, v3  }
0x20: {  	v0 =	vand.u32 $0x7, v0  }
0x21: {  	v0 =	vor.u32 v0, v3  }
0x22: {  	v0 =	vperm.xlane v0, v60;
	_ =	sdelay $0x1  }
0x23: {  	v0 =	vadd.s32 v2, v0;
	_ =	sdelay $0x3  }
0x24: {  	s28 =	simm.s32 $0x1880  }
0x25: {  	[tilespmem:s28], [sflag:$0x2] =	stream.indirect_vreg.gather [hbm4b:s4+s2], $0x80, v0, vm0, $0xb8;
	[tilespmem:$0x6080] =	vst v63  }
0x26: {  	s13 =	simm.s32 $0x2080  }
0x27: {  	[tilespmem:s13], [sflag:$0x2] =	stream.indirect_vreg.gather [hbm4b:s10+s2], $0x80, v0, vm0, $0xb8;
	[tilespmem:$0x6080] =	vst v63  }
0x28: {  	s29 =	simm.s32 $0x2880;
	s7 =	sor.u32 $0x2, s7  }
0x29: {  	[tilespmem:s29], [sflag:$0x2] =	stream.indirect_vreg.gather [hbm4b:s26+s2], $0x80, v0, vm0, $0xb8;
	[tilespmem:$0x6080] =	vst v63  }
0x2a: {  	s30 =	simm.s32 $0x10;
	s6 =	sadd.s32 s6, s7  }
0x2b: {  	[tilespmem:s30], [sflag:$0x9] =	stream.linear.gather [hbm4b:s6+s2], $0x10, $0x38;
	[tilespmem:$0x6080] =	vst v63  }
0x2c: {  	_ =	swait.ge [sflag:s8], $0x10  }
0x2d: {  	[sflag:s8] =	ssyncset.done $0x0  }
0x2e: {  	[sflag:s8] =	ssyncadd.s32 $0xFFFFFFF0  }
0x2f: {  	v61 =	vld [tilespmem:$0x10];
	_ =	sdelay $0x4  }
0x30: {  	v0 =	vadd.s32 s9, v61  }
0x31: {  	[tilespmem:$0x10] =	vst v0  }
0x32: {  	v0 =	vld.msk [tilespmem:$0x10], $0xff;
	_ =	sdelay $0x4  }
0x33: {  	v62 =	vshrl.u32 v0, $0x3  }
0x34: {  	v3 =	vmul.u32 $0x30, v62  }
0x35: {  	v0 =	vand.u32 $0x7, v0  }
0x36: {  	v0 =	vor.u32 v0, v3  }
0x37: {  	v0 =	vperm.xlane v0, v60;
	_ =	sdelay $0x1  }
0x38: {  	v0 =	vadd.s32 v2, v0;
	_ =	sdelay $0x3  }
0x39: {  	s31 =	simm.s32 $0x3080  }
0x3a: {  	[tilespmem:s31], [sflag:$0x3] =	stream.indirect_vreg.gather [hbm4b:s4+s2], $0x80, v0, vm0, $0xb8;
	[tilespmem:$0x6080] =	vst v63  }
0x3b: {  	s13 =	simm.s32 $0x3880  }
0x3c: {  	[tilespmem:s13], [sflag:$0x3] =	stream.indirect_vreg.gather [hbm4b:s10+s2], $0x80, v0, vm0, $0xb8;
	[tilespmem:$0x6080] =	vst v63  }
0x3d: {  	s14 =	simm.s32 $0x4080  }
0x3e: {  	[tilespmem:s14], [sflag:$0x3] =	stream.indirect_vreg.gather [hbm4b:s26+s2], $0x80, v0, vm0, $0xb8;
	[tilespmem:$0x6080] =	vst v63  }
0x3f: {  	v0 =	vld.msk [tilespmem:$0x18], $0xff;
	_ =	sdelay $0x4  }
0x40: {  	v63 =	vshrl.u32 v0, $0x3  }
0x41: {  	v3 =	vmul.u32 $0x30, v63  }
0x42: {  	v0 =	vand.u32 $0x7, v0  }
0x43: {  	v0 =	vor.u32 v0, v3  }
0x44: {  	v0 =	vperm.xlane v0, v60;
	_ =	sdelay $0x1  }
0x45: {  	v0 =	vadd.s32 v2, v0;
	_ =	sdelay $0x3  }
0x46: {  	s15 =	simm.s32 $0x4880  }
0x47: {  	[tilespmem:s15], [sflag:$0x4] =	stream.indirect_vreg.gather [hbm4b:s4+s2], $0x80, v0, vm0, $0xb8;
	[tilespmem:$0x6080] =	vst v63  }
0x48: {  	s16 =	simm.s32 $0x5080  }
0x49: {  	[tilespmem:s16], [sflag:$0x4] =	stream.indirect_vreg.gather [hbm4b:s10+s2], $0x80, v0, vm0, $0xb8;
	[tilespmem:$0x6080] =	vst v63  }
0x4a: {  	s17 =	simm.s32 $0x5880;
	s18 =	simm.s32 $0x1  }
0x4b: {  	[tilespmem:s17], [sflag:$0x4] =	stream.indirect_vreg.gather [hbm4b:s26+s2], $0x80, v0, vm0, $0xb8;
	[tilespmem:$0x6080] =	vst v63  }
0x4c: {  	s19 =	smul.u32 $0xC00, s1;
	_ =	swait.ge [sflag:s18], $0x1800  }
0x4d: {  	[sflag:s18] =	ssyncset.done $0x0  }
0x4e: {  	s20 =	simm.s32 $0x2;
	s9 =	sadd.s32 s3, s19;
	[sflag:s18] =	ssyncadd.s32 $0xFFFFE800  }
0x4f: {  	[hbm4b:s9+s2] =	stream.linear.scatter [tilespmem:s25], [sflag:$0x5], $0x1800, $0x38;
	[tilespmem:$0x6080] =	vst v63  }
0x50: {  	_ =	swait.ge [sflag:s20], $0x1800  }
0x51: {  	[sflag:s20] =	ssyncset.done $0x0  }
0x52: {  	s22 =	simm.s32 $0x3;
	s21 =	sadd.s32 $0x300, s9;
	[sflag:s20] =	ssyncadd.s32 $0xFFFFE800  }
0x53: {  	[hbm4b:s21+s2] =	stream.linear.scatter [tilespmem:s28], [sflag:$0x6], $0x1800, $0x38;
	[tilespmem:$0x6080] =	vst v63  }
0x54: {  	s23 =	smul.u32 $0x300, s7;
	_ =	swait.ge [sflag:s22], $0x1800  }
0x55: {  	s24 =	smul.u32 $0x6000, s1;
	[sflag:s22] =	ssyncset.done $0x0  }
0x56: {  	s5 =	sadd.s32 s3, s23;
	s25 =	simm.s32 $0x4;
	[sflag:s22] =	ssyncadd.s32 $0xFFFFE800  }
0x57: {  	[hbm4b:s5+s2] =	stream.linear.scatter [tilespmem:s31], [sflag:$0x7], $0x1800, $0x38;
	[tilespmem:$0x6080] =	vst v63  }
0x58: {  	s26 =	sshrl.u32 s24, $0x3;
	_ =	swait.ge [sflag:s25], $0x1800  }
0x59: {  	s3 =	sadd.s32 s3, s26;
	[sflag:s25] =	ssyncset.done $0x0  }
0x5a: {  	s3 =	sadd.s32 $0x900, s3;
	s28 =	simm.s32 $0x5;
	[sflag:s25] =	ssyncadd.s32 $0xFFFFE800  }
0x5b: {  	[hbm4b:s3+s2] =	stream.linear.scatter [tilespmem:s15], [sflag:$0x8], $0x1800, $0x38;
	[tilespmem:$0x6080] =	vst v63  }
0x5c: {  	_ =	swait.ge [sflag:s28], $0x1800  }
0x5d: {  	[sflag:s28] =	ssyncset.done $0x0  }
0x5e: {  	s29 =	simm.s32 $0x6;
	[sflag:s28] =	ssyncadd.s32 $0xFFFFE800  }
0x5f: {  	_ =	swait.ge [sflag:s29], $0x1800  }
0x60: {  	[sflag:s29] =	ssyncset.done $0x0  }
0x61: {  	s30 =	simm.s32 $0x7;
	[sflag:s29] =	ssyncadd.s32 $0xFFFFE800  }
0x62: {  	_ =	swait.ge [sflag:s30], $0x1800  }
0x63: {  	[sflag:s30] =	ssyncset.done $0x0  }
0x64: {  	s31 =	simm.s32 $0x8;
	[sflag:s30] =	ssyncadd.s32 $0xFFFFE800  }
0x65: {  	_ =	swait.ge [sflag:s31], $0x1800  }
0x66: {  	[sflag:s31] =	ssyncset.done $0x0  }
0x67: {  	[sflag:s31] =	ssyncadd.s32 $0xFFFFE800  }
0x68: {  	_ =	sfence.sel $0x180000  }
0x69: {  	[bflag:$0x0] =	sbarrier.arrive $0xFFFF  }
0x6a: {  	p0 =	sne.s32 s1, $0x0;
	_ =	strace $0x90000047  }
0x6b: {  	s0 =	sadd.s32 @!p0 $0x100000, s0;
	[bflag:$0x2] =	sbarrier.arrive $0xFFFF  }
0x6c: {  	[sflag:s0] =	ssyncadd.tile.s32 @!p0 $0x1;
	_ =	shalt  }
.Lfunc_end2:
_tile_overlayer_lowered:
.L_overlay_start_2:
0x6d: {  	(tag) =	ssettag $0x2  }
0x6e: {  	s0 =	rddreg [dreg:$0x0];
	s2 =	stileid.u32  }
0x6f: {  	s1 =	rddreg [dreg:$0x1];
	p0 =	sne.s32 s2, $0x0  }
0x70: {  	s3 =	rddreg [dreg:$0x2];
	[bflag:$0x3] =	sbarrier.arrive $0xFFFF;
	s2 =	simm.s32 @!p0 $0x1C09  }
0x71: {  	[timem:s3], [sflag:s2] =	dma.local @!p0 [hbm:s0], s1  }
0x72: {  	s0 =	simm.s32 @!p0 $0x9  }
0x73: {  	_ =	swait.ge @!p0 [sflag:s0], s1  }
0x74: {  	s1 =	ssub.s32 @!p0 $0x0, s1;
	[sflag:s0] =	ssyncset.done @!p0 $0x0  }
0x75: {  	[sflag:s0] =	ssyncadd.s32 @!p0 s1  }
0x76: {  	[bflag:$0x3] =	sbarrier.arrive $0xFFFF  }
0x77: {  	_ =	shalt  }

</sc_bundles>
